<compile_context>
chip_gen: v7x
topology: tpu7x:2x2x1
jax: 0.10.2.dev20260603
libtpu: 0.0.44.dev20260713+nightly
codegen_flags: <defaults>
</compile_context>

<pallas_src>
import jax
import jax.numpy as jnp
from jax import lax
from jax.experimental import pallas as pl
from jax.experimental.pallas import tpu as pltpu
from jax.experimental.pallas import tpu_sc as plsc

N = 10000
E = 320000
D = 128

NC = 2
NS = 16
NW = NC * NS
L = 16

EPT = E // NW
CH = 80
NCHUNK = EPT // CH
RPT = N // NS
SCH = 100
SNCH = EPT // SCH

def _sc_mesh():
    return plsc.VectorSubcoreMesh(core_axis_name="c", subcore_axis_name="s",
                                  num_cores=NC, num_subcores=NS)
_sc_params = pltpu.CompilerParams(use_tc_tiling_on_sc=False,
                                  needs_layout_passes=False)


def _tile_base(unused=None):
    core = lax.axis_index("c")
    sub = lax.axis_index("s")
    return core, sub, (core * NS + sub) * EPT



def _sc_deg_body(dst3_hbm, z16_hbm, out_hbm, acc_sh, idxd, ones_v, semi):
    core, sub, base0 = _tile_base()
    wid = core * NS + sub

    cd = pltpu.async_copy(dst3_hbm.at[wid], idxd, semi)
    pltpu.sync_copy(z16_hbm.at[pl.ds(sub * RPT, RPT)],
                    acc_sh.at[pl.ds(sub * RPT, RPT)])

    @pl.loop(0, CH)
    def _ones(i):
        ones_v[i, :] = jnp.ones((L,), jnp.float32)

    cd.wait()
    plsc.subcore_barrier()

    @pl.loop(0, NCHUNK)
    def _chunk(ci):
        pltpu.sync_copy(ones_v, acc_sh.at[idxd.at[ci]], add=True)

    plsc.subcore_barrier()
    pltpu.sync_copy(acc_sh.at[pl.ds(sub * RPT, RPT)],
                    out_hbm.at[core, pl.ds(sub * RPT, RPT)])


@jax.jit
def _sc_deg(dst3, z16):
    k = pl.kernel(
        _sc_deg_body,
        out_type=jax.ShapeDtypeStruct((NC, N, L), jnp.float32),
        mesh=_sc_mesh(),
        compiler_params=_sc_params,
        scratch_types=[
            pltpu.VMEM_SHARED((N, L), jnp.float32),
            pltpu.VMEM((NCHUNK, CH), jnp.int32),
            pltpu.VMEM((CH, L), jnp.float32),
            pltpu.SemaphoreType.DMA,
        ],
    )
    return k(dst3, z16)



def _sc_segsum_body(src3_hbm, dst3_hbm, table_hbm, zd_hbm, out_hbm,
                    acc_sh, idxs, idxd, rows0, rows1, semi, sem0, sem1):
    core, sub, base0 = _tile_base()
    wid = core * NS + sub

    cs = pltpu.async_copy(src3_hbm.at[wid], idxs, semi)
    cd = pltpu.async_copy(dst3_hbm.at[wid], idxd, semi)
    pltpu.sync_copy(zd_hbm.at[pl.ds(sub * RPT, RPT)],
                    acc_sh.at[pl.ds(sub * RPT, RPT)])
    cs.wait()
    cd.wait()
    plsc.subcore_barrier()

    pltpu.async_copy(table_hbm.at[idxs.at[0]], rows0, sem0)

    @pl.loop(0, SNCH, step=2)
    def _chunk(ci0):
        pltpu.make_async_copy(table_hbm.at[idxs.at[ci0]], rows0, sem0).wait()
        pltpu.async_copy(table_hbm.at[idxs.at[ci0 + 1]], rows1, sem1)
        pltpu.sync_copy(rows0, acc_sh.at[idxd.at[ci0]], add=True)
        pltpu.make_async_copy(table_hbm.at[idxs.at[ci0 + 1]], rows1, sem1).wait()

        @pl.when(ci0 + 2 < SNCH)
        def _():
            pltpu.async_copy(table_hbm.at[idxs.at[ci0 + 2]], rows0, sem0)

        pltpu.sync_copy(rows1, acc_sh.at[idxd.at[ci0 + 1]], add=True)

    plsc.subcore_barrier()
    for k in range(RPT // 125):
        r0 = sub * RPT + k * 125
        pltpu.sync_copy(acc_sh.at[pl.ds(r0, 125)], out_hbm.at[core, pl.ds(r0, 125)])


@jax.jit
def _sc_segsum(src3, dst3, table, zd):
    k = pl.kernel(
        _sc_segsum_body,
        out_type=jax.ShapeDtypeStruct((NC, N, D), jnp.float32),
        mesh=_sc_mesh(),
        compiler_params=_sc_params,
        scratch_types=[
            pltpu.VMEM_SHARED((N, D), jnp.float32),
            pltpu.VMEM((SNCH, SCH), jnp.int32),
            pltpu.VMEM((SNCH, SCH), jnp.int32),
            pltpu.VMEM((SCH, D), jnp.float32),
            pltpu.VMEM((SCH, D), jnp.float32),
            pltpu.SemaphoreType.DMA,
            pltpu.SemaphoreType.DMA,
            pltpu.SemaphoreType.DMA,
        ],
    )
    return k(src3, dst3, table, zd)



def _sc_gat_body(src3_hbm, dst3_hbm, fs_hbm, fd_hbm, attn_hbm, zd_hbm, z16_hbm,
                 out_hbm, den_hbm,
                 acc_sh, den_sh, is0, id0, is1, id1, a0, a1, b, drows,
                 attn_v, pmat, ebuf, semi0, semi1, sema0, sema1, semb):
    core, sub, base0 = _tile_base()
    wid = core * NS + sub

    ci0s = pltpu.async_copy(src3_hbm.at[wid, 0], is0, semi0)
    ci0d = pltpu.async_copy(dst3_hbm.at[wid, 0], id0, semi0)
    pltpu.sync_copy(zd_hbm.at[pl.ds(sub * RPT, RPT)],
                    acc_sh.at[pl.ds(sub * RPT, RPT)])
    pltpu.sync_copy(z16_hbm.at[pl.ds(sub * RPT, RPT)],
                    den_sh.at[pl.ds(sub * RPT, RPT)])
    pltpu.sync_copy(attn_hbm, attn_v)
    ci0s.wait()
    ci0d.wait()
    pltpu.async_copy(fs_hbm.at[is0], a0, sema0)
    pltpu.async_copy(fd_hbm.at[id0], b, semb)
    pltpu.async_copy(src3_hbm.at[wid, 1], is1, semi1)
    pltpu.async_copy(dst3_hbm.at[wid, 1], id1, semi1)
    plsc.subcore_barrier()

    lanes = lax.iota(jnp.int32, L)
    attn_c = [attn_v[pl.ds(j * L, L)] for j in range(D // L)]

    def lane_bcast(vec, i):
        idx = jnp.full((L, 1), i, jnp.int32)
        dnums = lax.GatherDimensionNumbers(
            offset_dims=(), collapsed_slice_dims=(0,), start_index_map=(0,))
        return lax.gather(vec, idx, dnums, (1,),
                          mode=lax.GatherScatterMode.PROMISE_IN_BOUNDS)

    def logits_phase(arows):
        @pl.loop(0, CH, step=L)
        def _grp(g):
            for i in range(L):
                acc = jnp.zeros((L,), jnp.float32)
                for j in range(D // L):
                    sv = arows[g + i, pl.ds(j * L, L)] + b[g + i, pl.ds(j * L, L)]
                    sv = jnp.where(sv >= 0.0, sv, sv * jnp.float32(0.2))
                    acc = acc + sv * attn_c[j]
                pmat[i, :] = acc
            e16 = jnp.zeros((L,), jnp.float32)
            for kk in range(L):
                e16 = e16 + plsc.load_gather(
                    pmat, [lanes, jnp.full((L,), kk, jnp.int32)])
            ebuf[pl.ds(g, L)] = jnp.exp(e16)

    def scale_phase(arows):
        @pl.loop(0, CH, step=L)
        def _grp(g):
            ee16 = ebuf[pl.ds(g, L)]
            for i in range(L):
                bc = lane_bcast(ee16, i)
                for j in range(D // L):
                    arows[g + i, pl.ds(j * L, L)] = (
                        arows[g + i, pl.ds(j * L, L)] * bc)
                drows[g + i, :] = bc

    def run_chunk(ci, arows, sema, ism, idm, iso, ido, semio, semim, last):
        pltpu.make_async_copy(fs_hbm.at[ism], arows, sema).wait()
        pltpu.make_async_copy(fd_hbm.at[idm], b, semb).wait()
        logits_phase(arows)
        if not last:
            pltpu.make_async_copy(src3_hbm.at[wid, ci + 1], iso, semio).wait()
            pltpu.make_async_copy(dst3_hbm.at[wid, ci + 1], ido, semio).wait()
            other_a = a1 if arows is a0 else a0
            other_sema = sema1 if arows is a0 else sema0
            pltpu.async_copy(fs_hbm.at[iso], other_a, other_sema)
            pltpu.async_copy(fd_hbm.at[ido], b, semb)
        scale_phase(arows)
        pltpu.sync_copy(arows, acc_sh.at[idm], add=True)
        pltpu.sync_copy(drows, den_sh.at[idm], add=True)

    @pl.loop(0, NCHUNK - 1, step=2)
    def _pair(ci0):
        run_chunk(ci0, a0, sema0, is0, id0, is1, id1, semi1, semi0, False)

        @pl.when(ci0 + 2 < NCHUNK)
        def _():
            pltpu.async_copy(src3_hbm.at[wid, ci0 + 2], is0, semi0)
            pltpu.async_copy(dst3_hbm.at[wid, ci0 + 2], id0, semi0)

        run_chunk(ci0 + 1, a1, sema1, is1, id1, is0, id0, semi0, semi1, False)

        @pl.when(ci0 + 3 < NCHUNK)
        def _():
            pltpu.async_copy(src3_hbm.at[wid, ci0 + 3], is1, semi1)
            pltpu.async_copy(dst3_hbm.at[wid, ci0 + 3], id1, semi1)

    run_chunk(NCHUNK - 1, a0, sema0, is0, id0, is1, id1, semi1, semi0, True)

    plsc.subcore_barrier()
    for k in range(RPT // 125):
        r0 = sub * RPT + k * 125
        pltpu.sync_copy(acc_sh.at[pl.ds(r0, 125)], out_hbm.at[core, pl.ds(r0, 125)])
    pltpu.sync_copy(den_sh.at[pl.ds(sub * RPT, RPT)],
                    den_hbm.at[core, pl.ds(sub * RPT, RPT)])


@jax.jit
def _sc_gat(src3, dst3, fs, fd, attn, zd, z16):
    k = pl.kernel(
        _sc_gat_body,
        out_type=(jax.ShapeDtypeStruct((NC, N, D), jnp.float32),
                  jax.ShapeDtypeStruct((NC, N, L), jnp.float32)),
        mesh=_sc_mesh(),
        compiler_params=_sc_params,
        scratch_types=[
            pltpu.VMEM_SHARED((N, D), jnp.float32),
            pltpu.VMEM_SHARED((N, L), jnp.float32),
            pltpu.VMEM((CH,), jnp.int32),
            pltpu.VMEM((CH,), jnp.int32),
            pltpu.VMEM((CH,), jnp.int32),
            pltpu.VMEM((CH,), jnp.int32),
            pltpu.VMEM((CH, D), jnp.float32),
            pltpu.VMEM((CH, D), jnp.float32),
            pltpu.VMEM((CH, D), jnp.float32),
            pltpu.VMEM((CH, L), jnp.float32),
            pltpu.VMEM((D,), jnp.float32),
            pltpu.VMEM((L, L), jnp.float32),
            pltpu.VMEM((CH,), jnp.float32),
            pltpu.SemaphoreType.DMA,
            pltpu.SemaphoreType.DMA,
            pltpu.SemaphoreType.DMA,
            pltpu.SemaphoreType.DMA,
            pltpu.SemaphoreType.DMA,
        ],
    )
    return k(src3, dst3, fs, fd, attn, zd, z16)



BLK = 1000
GRID = N // BLK


def _row_spec(width=D):
    return pl.BlockSpec((BLK, width), lambda i: (i, 0))


def _full_spec(shape):
    ndim = len(shape)
    return pl.BlockSpec(shape, lambda i: (0,) * ndim)


def _tc_deg_h_body(d0_ref, d1_ref, x_ref, dinv_ref, h_ref):
    deg = d0_ref[:, 0:1] + d1_ref[:, 0:1]
    dinv = lax.rsqrt(jnp.maximum(deg, 1.0))
    dinv_ref[...] = jnp.broadcast_to(dinv, (BLK, L))
    h_ref[...] = x_ref[...] * dinv


@jax.jit
def _tc_deg_h(degp, x0):
    return pl.pallas_call(
        _tc_deg_h_body,
        grid=(GRID,),
        in_specs=[_row_spec(L), _row_spec(L), _row_spec()],
        out_specs=[_row_spec(L), _row_spec()],
        out_shape=[jax.ShapeDtypeStruct((N, L), jnp.float32),
                   jax.ShapeDtypeStruct((N, D), jnp.float32)],
    )(degp[0], degp[1], x0)


def _tc_step1_body(s0_ref, s1_ref, x0_ref, dinv_ref, rn_ref, x1_ref, h1_ref):
    rn = rn_ref[0]
    dv = dinv_ref[:, 0:1]
    agg = (s0_ref[...] + s1_ref[...]) * dv
    x1 = agg * (-rn) + x0_ref[...] * (rn - 1.0)
    x1_ref[...] = x1
    h1_ref[...] = x1 * dv


@jax.jit
def _tc_step1(s0, s1, x0, dinv, rn):
    return pl.pallas_call(
        _tc_step1_body,
        grid=(GRID,),
        in_specs=[_row_spec(), _row_spec(), _row_spec(), _row_spec(L),
                  pl.BlockSpec(memory_space=pltpu.SMEM)],
        out_specs=[_row_spec(), _row_spec()],
        out_shape=[jax.ShapeDtypeStruct((N, D), jnp.float32),
                   jax.ShapeDtypeStruct((N, D), jnp.float32)],
    )(s0, s1, x0, dinv, rn)


def _tc_step2_body(s0_ref, s1_ref, x0_ref, x1_ref, dinv_ref, rn_ref,
                   w0_ref, w1_ref, w2_ref, b_ref, x_ref, h_ref):
    rn = rn_ref[0]
    dv = dinv_ref[:, 0:1]
    agg = (s0_ref[...] + s1_ref[...]) * dv
    x2 = agg * (-2.0 * rn) + x1_ref[...] * (2.0 * (rn - 1.0)) - x0_ref[...]
    acc = jnp.dot(x0_ref[...], w0_ref[...],
                  preferred_element_type=jnp.float32,
                  precision=lax.Precision.HIGHEST)
    acc += jnp.dot(x1_ref[...], w1_ref[...],
                   preferred_element_type=jnp.float32,
                  precision=lax.Precision.HIGHEST)
    acc += jnp.dot(x2, w2_ref[...], preferred_element_type=jnp.float32,
                  precision=lax.Precision.HIGHEST)
    xn = jnp.maximum(acc + b_ref[...], 0.0)
    x_ref[...] = xn
    h_ref[...] = xn * dv


@jax.jit
def _tc_step2(s0, s1, x0, x1, dinv, rn, w0, w1, w2, b):
    return pl.pallas_call(
        _tc_step2_body,
        grid=(GRID,),
        in_specs=[_row_spec(), _row_spec(), _row_spec(), _row_spec(),
                  _row_spec(L),
                  pl.BlockSpec(memory_space=pltpu.SMEM),
                  _full_spec((D, D)), _full_spec((D, D)), _full_spec((D, D)),
                  _full_spec((1, D))],
        out_specs=[_row_spec(), _row_spec()],
        out_shape=[jax.ShapeDtypeStruct((N, D), jnp.float32),
                   jax.ShapeDtypeStruct((N, D), jnp.float32)],
    )(s0, s1, x0, x1, dinv, rn, w0, w1, w2, b)


def _tc_step2gat_body(s0_ref, s1_ref, x0_ref, x1_ref, dinv_ref, rn_ref,
                      w0_ref, w1_ref, w2_ref, b_ref,
                      ws_ref, bs_ref, wd_ref, bd_ref, fs_ref, fd_ref):
    rn = rn_ref[0]
    dv = dinv_ref[:, 0:1]
    agg = (s0_ref[...] + s1_ref[...]) * dv
    x2 = agg * (-2.0 * rn) + x1_ref[...] * (2.0 * (rn - 1.0)) - x0_ref[...]
    acc = jnp.dot(x0_ref[...], w0_ref[...],
                  preferred_element_type=jnp.float32,
                  precision=lax.Precision.HIGHEST)
    acc += jnp.dot(x1_ref[...], w1_ref[...],
                   preferred_element_type=jnp.float32,
                   precision=lax.Precision.HIGHEST)
    acc += jnp.dot(x2, w2_ref[...], preferred_element_type=jnp.float32,
                   precision=lax.Precision.HIGHEST)
    xn = jnp.maximum(acc + b_ref[...], 0.0)
    fs_ref[...] = jnp.dot(xn, ws_ref[...],
                          preferred_element_type=jnp.float32,
                          precision=lax.Precision.HIGHEST) + bs_ref[...]
    fd_ref[...] = jnp.dot(xn, wd_ref[...],
                          preferred_element_type=jnp.float32,
                          precision=lax.Precision.HIGHEST) + bd_ref[...]


@jax.jit
def _tc_step2gat(s0, s1, x0, x1, dinv, rn, w0, w1, w2, b, ws, bs, wd, bd):
    return pl.pallas_call(
        _tc_step2gat_body,
        grid=(GRID,),
        in_specs=[_row_spec(), _row_spec(), _row_spec(), _row_spec(),
                  _row_spec(L),
                  pl.BlockSpec(memory_space=pltpu.SMEM),
                  _full_spec((D, D)), _full_spec((D, D)), _full_spec((D, D)),
                  _full_spec((1, D)),
                  _full_spec((D, D)), _full_spec((1, D)),
                  _full_spec((D, D)), _full_spec((1, D))],
        out_specs=[_row_spec(), _row_spec()],
        out_shape=[jax.ShapeDtypeStruct((N, D), jnp.float32),
                   jax.ShapeDtypeStruct((N, D), jnp.float32)],
    )(s0, s1, x0, x1, dinv, rn, w0, w1, w2, b, ws, bs, wd, bd)


def _tc_final_body(o0_ref, o1_ref, d0_ref, d1_ref, out_ref):
    den = d0_ref[:, 0:1] + d1_ref[:, 0:1]
    num = o0_ref[...] + o1_ref[...]
    out_ref[...] = jnp.where(den > 0.0, num / jnp.maximum(den, 1e-38), 0.0)


@jax.jit
def _tc_final(o0, o1, d0, d1):
    return pl.pallas_call(
        _tc_final_body,
        grid=(GRID,),
        in_specs=[_row_spec(), _row_spec(), _row_spec(L), _row_spec(L)],
        out_specs=_row_spec(),
        out_shape=jax.ShapeDtypeStruct((N, D), jnp.float32),
    )(o0, o1, d0, d1)



def kernel(edge_index, user_embed, laplacian_lambda_max, cheb_W, cheb_b,
           gat_Wsrc, gat_bsrc, gat_Wdst, gat_bdst, gat_attn):
    src = edge_index[0]
    dst = edge_index[1]
    rn = (2.0 / laplacian_lambda_max).astype(jnp.float32)
    w0 = cheb_W[:D]
    w1 = cheb_W[D:2 * D]
    w2 = cheb_W[2 * D:]
    bias = cheb_b.reshape(1, D)
    bs = gat_bsrc.reshape(1, D)
    bd = gat_bdst.reshape(1, D)
    attn = gat_attn.reshape(D)

    zd = jnp.zeros((N, D), jnp.float32)
    z16 = jnp.zeros((N, L), jnp.float32)

    src3 = src.reshape(NW, NCHUNK, CH)
    dst3 = dst.reshape(NW, NCHUNK, CH)
    src3s = src.reshape(NW, SNCH, SCH)
    dst3s = dst.reshape(NW, SNCH, SCH)

    degp = _sc_deg(dst3, z16)
    dinv, h = _tc_deg_h(degp, user_embed)

    def half_cheb(x0, h0):
        s = _sc_segsum(src3s, dst3s, h0, zd)
        x1, h1 = _tc_step1(s[0], s[1], x0, dinv, rn)
        s2 = _sc_segsum(src3s, dst3s, h1, zd)
        return s2, x1

    s2a, x1a = half_cheb(user_embed, h)
    x1, h1 = _tc_step2(s2a[0], s2a[1], user_embed, x1a, dinv, rn,
                       w0, w1, w2, bias)
    s2b, x1b = half_cheb(x1, h1)
    fs, fd = _tc_step2gat(s2b[0], s2b[1], x1, x1b, dinv, rn,
                          w0, w1, w2, bias, gat_Wsrc, bs, gat_Wdst, bd)
    acc, den = _sc_gat(src3, dst3, fs, fd, attn, zd, z16)
    return _tc_final(acc[0], acc[1], den[0], den[1])

# --- scband reference (transcript-rebuilt; emitter-appended) ---
"""Pipeline reference for scband-spectral-attention-layer-63187558858868 (READ-ONLY COPY).

The authoritative reference and input builder live on the scoring server;
editing this copy changes nothing except your own understanding.
"""

import jax, jax.numpy as jnp
import numpy as np

N = 10000
E = 320000
D = 128
K = 3
H = 1

def setup_inputs(seed: int = 0):
    key = jax.random.key(seed)
    ks = jax.random.split(key, 8)
    edge_index = jax.random.randint(ks[0], (2, E), 0, N, dtype=jnp.int32)
    user_embed = jax.random.normal(ks[1], (N, D), dtype=jnp.float32)
    laplacian_lambda_max = jnp.ones((1,), dtype=jnp.float32)
    cheb_W = jax.random.normal(ks[2], (D * K, D), dtype=jnp.float32) * 0.05
    cheb_b = jnp.zeros((D,), dtype=jnp.float32)
    gat_Wsrc = jax.random.normal(ks[3], (D, H * D), dtype=jnp.float32) * 0.05
    gat_bsrc = jnp.zeros((H * D,), dtype=jnp.float32)
    gat_Wdst = jax.random.normal(ks[4], (D, H * D), dtype=jnp.float32) * 0.05
    gat_bdst = jnp.zeros((H * D,), dtype=jnp.float32)
    gat_attn = jax.random.normal(ks[5], (1, H, D), dtype=jnp.float32) * 0.05
    return {
        'edge_index': edge_index,
        'user_embed': user_embed,
        'laplacian_lambda_max': laplacian_lambda_max,
        'cheb_W': cheb_W,
        'cheb_b': cheb_b,
        'gat_Wsrc': gat_Wsrc,
        'gat_bsrc': gat_bsrc,
        'gat_Wdst': gat_Wdst,
        'gat_bdst': gat_bdst,
        'gat_attn': gat_attn,
    }


def reference(edge_index, user_embed, laplacian_lambda_max, cheb_W, cheb_b,
              gat_Wsrc, gat_bsrc, gat_Wdst, gat_bdst, gat_attn):
    src = edge_index[0]
    dst = edge_index[1]

    # in-degree based symmetric normalization (DGL ChebConv semantics)
    deg = jnp.zeros((N,), jnp.float32).at[dst].add(1.0)
    d_inv = jnp.power(jnp.maximum(deg, 1.0), -0.5)[:, None]
    re_norm = 2.0 / laplacian_lambda_max  # (1,) broadcasts over nodes

    def unnlap(f):
        # D^-1/2 A D^-1/2 f  (message from src, summed at dst)
        h = f * d_inv
        agg = jax.ops.segment_sum(h[src], dst, num_segments=N)
        return agg * d_inv

    def cheb(x):
        X0 = x
        h = unnlap(X0)
        X1 = -re_norm * h + X0 * (re_norm - 1.0)
        feats = [X0, X1]
        Xp, Xc = X0, X1
        for _ in range(2, K):
            h = unnlap(Xc)
            Xn = -2.0 * re_norm * h + Xc * 2.0 * (re_norm - 1.0) - Xp
            feats.append(Xn)
            Xp, Xc = Xc, Xn
        Xt = jnp.concatenate(feats, axis=1)
        # DGL ChebConv default activation is ReLU
        return jax.nn.relu(Xt @ cheb_W + cheb_b)

    # spec_gcn applied twice with SHARED weights (same module instance)
    x = cheb(user_embed)
    x = cheb(x)

    # GATv2Conv (allow_zero_in_degree=True)
    fs = (x @ gat_Wsrc + gat_bsrc).reshape(N, H, D)
    fd = (x @ gat_Wdst + gat_bdst).reshape(N, H, D)
    e = jax.nn.leaky_relu(fs[src] + fd[dst], 0.2)          # (E, H, D)
    e = jnp.sum(e * gat_attn, axis=-1)                     # (E, H)
    emax = jax.ops.segment_max(e, dst, num_segments=N)     # (N, H)
    emax = jnp.where(jnp.isfinite(emax), emax, 0.0)
    ee = jnp.exp(e - emax[dst])
    den = jax.ops.segment_sum(ee, dst, num_segments=N)
    a = ee / den[dst]                                      # edge softmax per dst
    m = fs[src] * a[:, :, None]
    out = jax.ops.segment_sum(m, dst, num_segments=N)      # (N, H, D)
    return out[:, 0, :]                                    # squeeze(1)

if __name__ == "__main__":
    import jax
    _d = setup_inputs()
    print(jax.jit(kernel)(*tuple(_d.values())))

</pallas_src>

<mosaic_0001>
#map = affine_map<(d0, d1) -> (0, 0, 0)>
#map1 = affine_map<(d0, d1) -> (0, 0)>
module attributes {stable_mosaic.version = 14 : i64} {
  func.func @_sc_deg_body(%arg0: i32, %arg1: i32, %arg2: memref<32x125x80xi32, #tpu.memory_space<hbm>>, %arg3: memref<10000x16xf32, #tpu.memory_space<hbm>>, %arg4: memref<2x10000x16xf32, #tpu.memory_space<hbm>>, %arg5: memref<10000x16xf32, #tpu.memory_space<vmem_shared>>, %arg6: memref<125x80xi32, #tpu.memory_space<vmem>>, %arg7: memref<80x16xf32, #tpu.memory_space<vmem>>, %arg8: memref<!tpu.dma_semaphore, #tpu.memory_space<semaphore_mem>>) attributes {dimension_semantics = [#tpu.dimension_semantics<core_parallel>, #tpu.dimension_semantics<subcore_parallel>], iteration_bounds = array<i64: 2, 16>, scalar_prefetch = 0 : i64, scratch_operands = 4 : i64, tpu.core_type = #tpu.core_type<sc_vector_subcore>, window_params = [{transform_indices = #map}, {transform_indices = #map1}, {transform_indices = #map}]} {
    %mul3A = arith.constant 16 : i32
    %mul3A_0 = arith.muli %arg0, %mul3A : i32
    %add3A = arith.addi %mul3A_0, %arg1 : i32
    %mul3A_1 = arith.constant 10000 : i32
    %mul3A_2 = arith.muli %add3A, %mul3A_1 : i32
    %mul3A_3 = arith.constant 16 : i32
    %mul3A_4 = arith.muli %arg0, %mul3A_3 : i32
    %add3A_5 = arith.addi %mul3A_4, %arg1 : i32
    %dma_start3A = arith.constant 0 : i32
    %dma_start3A_6 = arith.constant 0 : i32
    %dma_start3A_7 = tpu.memref_slice %arg2[%add3A_5, %dma_start3A, %dma_start3A_6] : memref<32x125x80xi32, #tpu.memory_space<hbm>> -> memref<1x125x80xi32, #tpu.memory_space<hbm>>
    %dma_start3A_8 = tpu.memref_squeeze %dma_start3A_7 : memref<1x125x80xi32, #tpu.memory_space<hbm>> -> memref<125x80xi32, #tpu.memory_space<hbm>>
    %dma_start3A_9 = arith.constant 0 : i32
    %dma_start3A_10 = arith.constant 0 : i32
    %dma_start3A_11 = tpu.memref_slice %arg2[%add3A_5, %dma_start3A_9, %dma_start3A_10] : memref<32x125x80xi32, #tpu.memory_space<hbm>> -> memref<1x125x80xi32, #tpu.memory_space<hbm>>
    %dma_start3A_12 = tpu.memref_squeeze %dma_start3A_11 : memref<1x125x80xi32, #tpu.memory_space<hbm>> -> memref<125x80xi32, #tpu.memory_space<hbm>>
    tpu.enqueue_dma source(%dma_start3A_12 : memref<125x80xi32, #tpu.memory_space<hbm>>) target(%arg6 : memref<125x80xi32, #tpu.memory_space<vmem>>) target_semaphore(%arg8 : memref<!tpu.dma_semaphore, #tpu.memory_space<semaphore_mem>>)
    %mul3A_13 = arith.constant 625 : i32
    %mul3A_14 = arith.muli %arg1, %mul3A_13 : i32
    %mul3A_15 = arith.constant 625 : i32
    %mul3A_16 = arith.muli %arg1, %mul3A_15 : i32
    "tpu.region"() ({
      %run_scoped3A = tpu.sem_alloc : memref<!tpu.dma_semaphore, #tpu.memory_space<semaphore_mem>>
      %dma_start3A_38 = arith.constant 0 : i32
      %dma_start3A_39 = tpu.memref_slice %arg5[%mul3A_16, %dma_start3A_38] : memref<10000x16xf32, #tpu.memory_space<vmem_shared>> -> memref<625x16xf32, #tpu.memory_space<vmem_shared>>
      %dma_start3A_40 = arith.constant 0 : i32
      %dma_start3A_41 = tpu.memref_slice %arg3[%mul3A_14, %dma_start3A_40] : memref<10000x16xf32, #tpu.memory_space<hbm>> -> memref<625x16xf32, #tpu.memory_space<hbm>>
      tpu.enqueue_dma source(%dma_start3A_41 : memref<625x16xf32, #tpu.memory_space<hbm>>) target(%dma_start3A_39 : memref<625x16xf32, #tpu.memory_space<vmem_shared>>) target_semaphore(%run_scoped3A : memref<!tpu.dma_semaphore, #tpu.memory_space<semaphore_mem>>)
      %dma_wait3A_42 = arith.constant 0 : i32
      %dma_wait3A_43 = tpu.memref_slice %arg5[%mul3A_16, %dma_wait3A_42] : memref<10000x16xf32, #tpu.memory_space<vmem_shared>> -> memref<625x16xf32, #tpu.memory_space<vmem_shared>>
      %dma_wait3A_44 = arith.constant 0 : i32
      %dma_wait3A_45 = tpu.memref_slice %arg3[%mul3A_14, %dma_wait3A_44] : memref<10000x16xf32, #tpu.memory_space<hbm>> -> memref<625x16xf32, #tpu.memory_space<hbm>>
      tpu.wait_dma2 semaphore(%run_scoped3A : memref<!tpu.dma_semaphore, #tpu.memory_space<semaphore_mem>>) src(%dma_wait3A_45 : memref<625x16xf32, #tpu.memory_space<hbm>>) dst(%dma_wait3A_43 : memref<625x16xf32, #tpu.memory_space<vmem_shared>>)
      tpu.yield
    }) : () -> ()
    %scan3A = arith.constant 0 : i32
    %scan3A_17 = arith.constant 80 : i32
    %scan3A_18 = arith.addi %scan3A, %scan3A_17 : i32
    %scan3A_19 = arith.constant 1 : i32
    scf.for %scan3A_38 = %scan3A to %scan3A_18 step %scan3A_19  : i32 {
      %mul3A_39 = arith.constant 1 : i32
      %mul3A_40 = arith.muli %scan3A_38, %mul3A_39 : i32
      %add3A_41 = arith.constant 0 : i32
      %add3A_42 = arith.addi %add3A_41, %mul3A_40 : i32
      %broadcast_in_dim3A = arith.constant 1.000000e+00 : f32
      %broadcast_in_dim3A_43 = vector.broadcast %broadcast_in_dim3A : f32 to vector<16xf32>
      %swap3A = arith.index_cast %add3A_42 : i32 to index
      %swap3A_44 = arith.constant 0 : index
      %swap3A_45 = tpu.vector_load %arg7[%swap3A, %swap3A_44] {strides = array<i32>} : memref<80x16xf32, #tpu.memory_space<vmem>>, vector<16xf32>,
      tpu.vector_store %arg7[%swap3A, %swap3A_44], %broadcast_in_dim3A_43 {strides = array<i32>} : memref<80x16xf32, #tpu.memory_space<vmem>>, vector<16xf32>,
    }
    %scan3A_20 = arith.constant 80 : i32
    %dma_wait3A = arith.constant 0 : i32
    %dma_wait3A_21 = arith.constant 0 : i32
    %dma_wait3A_22 = tpu.memref_slice %arg2[%add3A_5, %dma_wait3A, %dma_wait3A_21] : memref<32x125x80xi32, #tpu.memory_space<hbm>> -> memref<1x125x80xi32, #tpu.memory_space<hbm>>
    %dma_wait3A_23 = tpu.memref_squeeze %dma_wait3A_22 : memref<1x125x80xi32, #tpu.memory_space<hbm>> -> memref<125x80xi32, #tpu.memory_space<hbm>>
    %dma_wait3A_24 = arith.constant 0 : i32
    %dma_wait3A_25 = arith.constant 0 : i32
    %dma_wait3A_26 = tpu.memref_slice %arg2[%add3A_5, %dma_wait3A_24, %dma_wait3A_25] : memref<32x125x80xi32, #tpu.memory_space<hbm>> -> memref<1x125x80xi32, #tpu.memory_space<hbm>>
    %dma_wait3A_27 = tpu.memref_squeeze %dma_wait3A_26 : memref<1x125x80xi32, #tpu.memory_space<hbm>> -> memref<125x80xi32, #tpu.memory_space<hbm>>
    tpu.wait_dma2 semaphore(%arg8 : memref<!tpu.dma_semaphore, #tpu.memory_space<semaphore_mem>>) src(%dma_wait3A_27 : memref<125x80xi32, #tpu.memory_space<hbm>>) dst(%arg6 : memref<125x80xi32, #tpu.memory_space<vmem>>)
    %barrier3A = arith.constant 0 : index
    tpu.barrier barrier_id(%barrier3A)
    %scan3A_28 = arith.constant 0 : i32
    %scan3A_29 = arith.constant 125 : i32
    %scan3A_30 = arith.addi %scan3A_28, %scan3A_29 : i32
    %scan3A_31 = arith.constant 1 : i32
    scf.for %scan3A_38 = %scan3A_28 to %scan3A_30 step %scan3A_31  : i32 {
      %mul3A_39 = arith.constant 1 : i32
      %mul3A_40 = arith.muli %scan3A_38, %mul3A_39 : i32
      %add3A_41 = arith.constant 0 : i32
      %add3A_42 = arith.addi %add3A_41, %mul3A_40 : i32
      "tpu.region"() ({
        %run_scoped3A = tpu.sem_alloc : memref<!tpu.dma_semaphore, #tpu.memory_space<semaphore_mem>>
        %dma_start3A_43 = arith.constant 0 : i32
        %dma_start3A_44 = tpu.memref_slice %arg6[%add3A_42, %dma_start3A_43] : memref<125x80xi32, #tpu.memory_space<vmem>> -> memref<1x80xi32, #tpu.memory_space<vmem>>
        %dma_start3A_45 = tpu.memref_squeeze %dma_start3A_44 : memref<1x80xi32, #tpu.memory_space<vmem>> -> memref<80xi32, #tpu.memory_space<vmem>>
        %dma_start3A_46 = arith.constant 0 : i32
        %dma_start3A_47 = arith.constant 0 : i32
        %dma_start3A_48 = tpu.memref_slice %arg5[%dma_start3A_46, %dma_start3A_47] : memref<10000x16xf32, #tpu.memory_space<vmem_shared>> -> memref<10000x16xf32, #tpu.memory_space<vmem_shared>>
        tpu.enqueue_indirect_dma source(%arg7 : memref<80x16xf32, #tpu.memory_space<vmem>>) target(%dma_start3A_48 : memref<10000x16xf32, #tpu.memory_space<vmem_shared>>) offsets(%dma_start3A_45 : memref<80xi32, #tpu.memory_space<vmem>>) semaphore(%run_scoped3A : memref<!tpu.dma_semaphore, #tpu.memory_space<semaphore_mem>>) {add = true}
        %dma_wait3A_49 = arith.constant 0 : i32
        %dma_wait3A_50 = tpu.memref_slice %arg6[%add3A_42, %dma_wait3A_49] : memref<125x80xi32, #tpu.memory_space<vmem>> -> memref<1x80xi32, #tpu.memory_space<vmem>>
        %dma_wait3A_51 = tpu.memref_squeeze %dma_wait3A_50 : memref<1x80xi32, #tpu.memory_space<vmem>> -> memref<80xi32, #tpu.memory_space<vmem>>
        %dma_wait3A_52 = arith.constant 0 : i32
        %dma_wait3A_53 = arith.constant 0 : i32
        %dma_wait3A_54 = tpu.memref_slice %arg5[%dma_wait3A_52, %dma_wait3A_53] : memref<10000x16xf32, #tpu.memory_space<vmem_shared>> -> memref<10000x16xf32, #tpu.memory_space<vmem_shared>>
        tpu.wait_indirect_dma semaphore(%run_scoped3A : memref<!tpu.dma_semaphore, #tpu.memory_space<semaphore_mem>>) src(%arg7 : memref<80x16xf32, #tpu.memory_space<vmem>>) dst(%dma_wait3A_54 : memref<10000x16xf32, #tpu.memory_space<vmem_shared>>)
        tpu.yield
      }) : () -> ()
    }
    %scan3A_32 = arith.constant 125 : i32
    %barrier3A_33 = arith.constant 0 : index
    tpu.barrier barrier_id(%barrier3A_33)
    %mul3A_34 = arith.constant 625 : i32
    %mul3A_35 = arith.muli %arg1, %mul3A_34 : i32
    %mul3A_36 = arith.constant 625 : i32
    %mul3A_37 = arith.muli %arg1, %mul3A_36 : i32
    "tpu.region"() ({
      %run_scoped3A = tpu.sem_alloc : memref<!tpu.dma_semaphore, #tpu.memory_space<semaphore_mem>>
      %dma_start3A_38 = arith.constant 0 : i32
      %dma_start3A_39 = tpu.memref_slice %arg4[%arg0, %mul3A_37, %dma_start3A_38] : memref<2x10000x16xf32, #tpu.memory_space<hbm>> -> memref<1x625x16xf32, #tpu.memory_space<hbm>>
      %dma_start3A_40 = tpu.memref_squeeze %dma_start3A_39 : memref<1x625x16xf32, #tpu.memory_space<hbm>> -> memref<625x16xf32, #tpu.memory_space<hbm>>
      %dma_start3A_41 = arith.constant 0 : i32
      %dma_start3A_42 = tpu.memref_slice %arg5[%mul3A_35, %dma_start3A_41] : memref<10000x16xf32, #tpu.memory_space<vmem_shared>> -> memref<625x16xf32, #tpu.memory_space<vmem_shared>>
      tpu.enqueue_dma source(%dma_start3A_42 : memref<625x16xf32, #tpu.memory_space<vmem_shared>>) target(%dma_start3A_40 : memref<625x16xf32, #tpu.memory_space<hbm>>) target_semaphore(%run_scoped3A : memref<!tpu.dma_semaphore, #tpu.memory_space<semaphore_mem>>)
      %dma_wait3A_43 = arith.constant 0 : i32
      %dma_wait3A_44 = tpu.memref_slice %arg4[%arg0, %mul3A_37, %dma_wait3A_43] : memref<2x10000x16xf32, #tpu.memory_space<hbm>> -> memref<1x625x16xf32, #tpu.memory_space<hbm>>
      %dma_wait3A_45 = tpu.memref_squeeze %dma_wait3A_44 : memref<1x625x16xf32, #tpu.memory_space<hbm>> -> memref<625x16xf32, #tpu.memory_space<hbm>>
      %dma_wait3A_46 = arith.constant 0 : i32
      %dma_wait3A_47 = tpu.memref_slice %arg5[%mul3A_35, %dma_wait3A_46] : memref<10000x16xf32, #tpu.memory_space<vmem_shared>> -> memref<625x16xf32, #tpu.memory_space<vmem_shared>>
      tpu.wait_dma2 semaphore(%run_scoped3A : memref<!tpu.dma_semaphore, #tpu.memory_space<semaphore_mem>>) src(%dma_wait3A_47 : memref<625x16xf32, #tpu.memory_space<vmem_shared>>) dst(%dma_wait3A_45 : memref<625x16xf32, #tpu.memory_space<hbm>>)
      tpu.yield
    }) : () -> ()
    return
  }
}

</mosaic_0001>

<sc_bundles>
// kernel: _sc_deg.3.cloned.1.call-start
scs
__scs_entry_jumppad:
0x0: {  	(pc) =	sbr.rel $0x88, $3  }
0x1: {  	(tag) =	ssettag $0x0;
	lr =	simm.s32 $0x1  }
0x2: {  	[smem:$0x3F9F] =	sst lr;
	_ =	strace $0xD0000000  }
0x3: {  	_ = 	snop  }
0x4: {  	_ = 	snop  }
0x5: {  	_ = 	snop  }
0x6: {  	_ = 	snop  }
0x7: {  	_ = 	snop  }
__scs_overlays_trampoline_lowered:
0x8: {  	[smem:$0x3FAE] =	sst s0  }
0x9: {  	[smem:$0x3FAF] =	sst s1  }
0xa: {  	[smem:$0x3FB0] =	sst s2  }
0xb: {  	[smem:$0x3FB1] =	sst s3  }
0xc: {  	[smem:$0x3FB2] =	sst s4  }
0xd: {  	[smem:$0x3FB3] =	sst s5  }
0xe: {  	[smem:$0x3FB4] =	sst s6  }
0xf: {  	[smem:$0x3FB5] =	sst s7  }
0x10: {  	[smem:$0x3FB6] =	sst s8  }
0x11: {  	[smem:$0x3FB7] =	sst s9;
	s0 =	simm.s32 @!p0 $0x0  }
0x12: {  	s1 =	sld [smem:$0x3F9D];
	s0 =	simm.s32 @p0 $0x1  }
0x13: {  	[smem:$0x3FB8] =	sst s0;
	s0 =	simm.s32 @!p1 $0x0  }
0x14: {  	s2 =	sld [smem:$0x3F9C];
	s0 =	simm.s32 @p1 $0x1  }
0x15: {  	[smem:$0x3FB9] =	sst s0;
	s0 =	simm.s32 @!p2 $0x0  }
0x16: {  	s3 =	sld [smem:$0x3FDB];
	s0 =	simm.s32 @p2 $0x1  }
0x17: {  	s4 =	simm.s32 $0x1BF5;
	[smem:$0x3FBB] =	sst s0  }
0x18: {  	s0 =	sld [smem:$0x3F9E];
	_ =	swait.ge [sflag:s4], $0x0  }
0x19: {  	s7 =	sld [smem:$0x3F9F]  }
0x1a: {  	s8 =	sadd.s32 $0xFFFFE003, lr  }
0x1b: {  	s9 =	sadd.s32 $0xFFFFFEF7, lr;
	s5 =	simm.s32 $0xFFFFFFFF;
	p2 =	slt.u32 s8, $0xFFFFF086  }
0x1c: {  	p1 =	slt.u32 s9, $0xF7A;
	s5 =	simm.s32 @!p2 $0x0  }
0x1d: {  	s5 =	simm.s32 @p1 $0x1;
	p0 =	seq.s32 s7, s2  }
0x1e: {  	s7 =	smul.u32 @!p0 $0xF7A, s2;
	p2 =	seq.s32 @!p0 s5, $0x0  }
0x1f: {  	s9 =	smul.u32 $0xF7A, s1;
	s8 =	simm.s32 @!p0 $0x1BF5;
	p2 =	por !p2, p0  }
0x20: {  	[sflag:s8] =	ssyncset.s32 @!p0 $0xFFFFF086;
	s6 =	sadd.s32 @!p0 s3, s7;
	s7 =	simm.s32 @!p0 $0x108  }
0x21: {  	s3 =	sadd.s32 s3, s9;
	s6 =	sadd.s32 @!p0 $0x88, s6;
	s7 =	simm.s32 @p2 $0x1082  }
0x22: {  	[simem:s7], [sflag:s8] =	dma.local @!p0 [hbm:s6], $0xF7A  }
0x23: {  	s9 =	sor.u32 $0xD0000000, s2;
	s6 =	simm.s32 $0x108;
	_ =	swait.ge @!p0 [sflag:s8], $0x0  }
0x24: {  	s3 =	sadd.s32 $0x88, s3;
	s6 =	simm.s32 @!p1 $0x1082;
	[sflag:s4] =	ssyncset.s32 $0xFFFFF086  }
0x25: {  	[simem:s6], [sflag:s4] =	dma.local [hbm:s3], $0xF7A  }
0x26: {  	[smem:$0x3F9F] =	sst s1;
	(tag) =	ssettag s2;
	_ =	strace s9  }
0x27: {  	s1 =	sld [smem:$0x3FAF]  }
0x28: {  	s2 =	sld [smem:$0x3FB0]  }
0x29: {  	s4 =	sld [smem:$0x3FB2]  }
0x2a: {  	p0 =	seq.s32 s5, $0x0;
	s5 =	sld [smem:$0x3FB3]  }
0x2b: {  	s6 =	sld [smem:$0x3FB4]  }
0x2c: {  	s7 =	sld [smem:$0x3FB5]  }
0x2d: {  	s3 =	simm.s32 $0x108;
	s8 =	sld [smem:$0x3FB6]  }
0x2e: {  	s3 =	simm.s32 @!p0 $0x1082;
	s9 =	sld [smem:$0x3FB7]  }
0x2f: {  	lr =	sadd.s32 s0, s3;
	s0 =	sld [smem:$0x3FAE]  }
0x30: {  	s3 =	sld [smem:$0x3FB1]  }
0x31: {  	[smem:$0x3FBA] =	sst s10  }
0x32: {  	s10 =	sld [smem:$0x3FB8];
	_ =	sdelay $0x3  }
0x33: {  	p0 =	seq.s32 s10, $0x1;
	s10 =	sld [smem:$0x3FBA];
	_ =	sdelay $0x3  }
0x34: {  	[smem:$0x3FBA] =	sst s10  }
0x35: {  	s10 =	sld [smem:$0x3FB9];
	_ =	sdelay $0x3  }
0x36: {  	p1 =	seq.s32 s10, $0x1;
	s10 =	sld [smem:$0x3FBA];
	_ =	sdelay $0x3  }
0x37: {  	[smem:$0x3FBA] =	sst s10  }
0x38: {  	s10 =	sld [smem:$0x3FBB]  }
0x39: {  	_ = 	snop;
	(pc) =	sbr.ind lr, $3  }
0x3a: {  	_ = 	snop  }
0x3b: {  	_ = 	snop  }
0x3c: {  	p2 =	seq.s32 s10, $0x1;
	s10 =	sld [smem:$0x3FBA]  }
0x3d: {  	_ =	shalt  }
0x3e: {  	_ =	shalt  }
0x3f: {  	_ =	shalt  }
0x40: {  	_ =	shalt  }
0x41: {  	_ =	shalt  }
0x42: {  	_ =	shalt  }
0x43: {  	_ =	shalt  }
0x44: {  	_ =	shalt  }
0x45: {  	_ =	shalt  }
0x46: {  	_ =	shalt  }
0x47: {  	_ =	shalt  }
0x48: {  	_ =	shalt  }
0x49: {  	_ =	shalt  }
0x4a: {  	_ =	shalt  }
0x4b: {  	_ =	shalt  }
0x4c: {  	_ =	shalt  }
0x4d: {  	_ =	shalt  }
0x4e: {  	_ =	shalt  }
0x4f: {  	_ =	shalt  }
0x50: {  	_ =	shalt  }
0x51: {  	_ =	shalt  }
0x52: {  	_ =	shalt  }
0x53: {  	_ =	shalt  }
0x54: {  	_ =	shalt  }
0x55: {  	_ =	shalt  }
0x56: {  	_ =	shalt  }
0x57: {  	_ =	shalt  }
0x58: {  	_ =	shalt  }
0x59: {  	_ =	shalt  }
0x5a: {  	_ =	shalt  }
0x5b: {  	_ =	shalt  }
0x5c: {  	_ =	shalt  }
0x5d: {  	_ =	shalt  }
0x5e: {  	_ =	shalt  }
0x5f: {  	_ =	shalt  }
0x60: {  	_ =	shalt  }
0x61: {  	_ =	shalt  }
0x62: {  	_ =	shalt  }
0x63: {  	_ =	shalt  }
0x64: {  	_ =	shalt  }
0x65: {  	_ =	shalt  }
0x66: {  	_ =	shalt  }
0x67: {  	_ =	shalt  }
0x68: {  	_ =	shalt  }
0x69: {  	_ =	shalt  }
0x6a: {  	_ =	shalt  }
0x6b: {  	_ =	shalt  }
0x6c: {  	_ =	shalt  }
0x6d: {  	_ =	shalt  }
0x6e: {  	_ =	shalt  }
0x6f: {  	_ =	shalt  }
0x70: {  	_ =	shalt  }
0x71: {  	_ =	shalt  }
0x72: {  	_ =	shalt  }
0x73: {  	_ =	shalt  }
0x74: {  	_ =	shalt  }
0x75: {  	_ =	shalt  }
0x76: {  	_ =	shalt  }
0x77: {  	_ =	shalt  }
0x78: {  	_ =	shalt  }
0x79: {  	_ =	shalt  }
0x7a: {  	_ =	shalt  }
0x7b: {  	_ =	shalt  }
0x7c: {  	_ =	shalt  }
0x7d: {  	_ =	shalt  }
0x7e: {  	_ =	shalt  }
0x7f: {  	_ =	shalt  }
0x80: {  	_ =	shalt  }
0x81: {  	_ =	shalt  }
0x82: {  	_ =	shalt  }
0x83: {  	_ =	shalt  }
0x84: {  	_ =	shalt  }
0x85: {  	_ =	shalt  }
0x86: {  	_ =	shalt  }
0x87: {  	_ =	shalt  }
.Lfunc_end0:
.L_simem_size_0:
called_computation_lowered:
.L_overlay_start_0:
0x88: {  	s2 =	sld [smem:$0x3FD9]  }
0x89: {  	s3 =	sld [smem:$0x3FFE];
	_ =	sdelay $0x1  }
0x8a: {  	s1 =	srdreg.scid  }
0x8b: {  	s0 =	sand.u32 $0x1, s1  }
0x8c: {  	s17 =	sshll.u32 s0, $0xA;
	s2 =	sadd.s32 s3, s2  }
0x8d: {  	s2 =	sadd.s32 s2, s17  }
0x8e: {  	[smem:$0x3FC6] =	sst s2  }
0x8f: {  	_ = 	snop  }
0x90: {  	s2 =	sld [smem:$0x3FD0];
	(tm) =	ssettm $0x1  }
0x91: {  	s18 =	sld [smem:$0x3FFB];
	_ =	sdelay $0x3  }
0x92: {  	_ =	strace s18  }
0x93: {  	s3 =	sld [smem:$0x3FFC];
	_ =	sdelay $0x3  }
0x94: {  	_ =	strace s3  }
0x95: {  	s3 =	sld [smem:$0x3FFD];
	_ =	sdelay $0x3  }
0x96: {  	_ =	strace s3  }
0x97: {  	_ =	strace $0x8FFFFFFF  }
0x98: {  	s19 =	sld [smem:$0x3FDB];
	_ =	sdelay $0x1  }
0x99: {  	s4 =	simm.s32 $_scs_section_size  }
0x9a: {  	s5 =	simm.s32 $_size__tile_overlayer_lowered;
	s6 =	simm.s32 $_tile_overlayer_lowered  }
0x9b: {  	s22 =	simm.s32 $0x1BFF;
	s21 =	sshll.u32 s6, $0x1;
	s3 =	sadd.s32 s4, s19  }
0x9c: {  	s7 =	simm.s32 $0x0;
	s20 =	sshll.u32 s5, $0x1;
	s5 =	sadd.s32 s21, s3  }
0x9d: {  	[timem:s7], [sflag:s22] =	dma.local [hbm:s5], s20  }
0x9e: {  	_ =	swait.ge [sflag:s22], s20  }
0x9f: {  	s4 =	ssub.s32 $0x0, s20;
	[sflag:s22] =	ssyncset.done $0x0  }
0xa0: {  	[sflag:s22] =	ssyncadd.s32 s4;
	_ =	sdelay $0x1  }
0xa1: {  	s23 =	simm.s32 $0x1B8B  }
0xa2: {  	_ =	swait.ge [sflag:s23], $0x1  }
0xa3: {  	[sflag:s23] =	ssyncset.done $0x0  }
0xa4: {  	s25 =	simm.s32 $0x1B8E;
	s24 =	sld [smem:$0x3FFE];
	[sflag:s23] =	ssyncadd.s32 $0xFFFFFFFF  }
0xa5: {  	s26 =	simm.s32 $execute0_lowered;
	[smem:$0x3FD2] =	sst s25  }
0xa6: {  	s5 =	sshll.u32 s26, $0x1;
	_ =	strace $0x80000046;
	[dreg:$0x1] =	wrdreg $0xFFFFFFFF  }
0xa7: {  	s28 =	simm.s32 $_size_execute0_lowered;
	s3 =	sadd.s32 s3, s5;
	[dreg:$0x0] =	wrdreg $0x0  }
0xa8: {  	s5 =	sshll.u32 s28, $0x1;
	[dreg:$0x2] =	wrdreg s3  }
0xa9: {  	[dreg:$0x3] =	wrdreg s5  }
0xaa: {  	[dreg:$0x4] =	wrdreg $0xC0  }
0xab: {  	_ =	task [dreg:s7], $0x5FFFF  }
0xac: {  	[dreg:$0x1] =	wrdreg $0xFFFFFFFF  }
0xad: {  	[dreg:$0x0] =	wrdreg $0x60  }
0xae: {  	[dreg:$0x2] =	wrdreg s2  }
0xaf: {  	[dreg:$0x3] =	wrdreg s24  }
0xb0: {  	[dreg:$0x4] =	wrdreg $0x0  }
0xb1: {  	[dreg:$0x5] =	wrdreg $0x9  }
0xb2: {  	_ =	task.clear_ibuf [dreg:s7], $0x6FFFF;
	_ =	strace $0x90000046  }
0xb3: {  	s29 =	simm.s32 $0x9;
	_ =	strace $0x80000048  }
0xb4: {  	_ =	swait.ge [sflag:s29], $0x1  }
0xb5: {  	[sflag:s29] =	ssyncadd.s32 $0xFFFFFFFF  }
0xb6: {  	_ =	strace $0x90000048  }
0xb7: {  	_ =	sfence  }
0xb8: {  	s30 =	sld [smem:$0x0];
	_ =	sdelay $0x2  }
0xb9: {  	s31 =	sshll.u32 s1, $0xD;
	s1 =	sshrl.u32 s1, $0x2  }
0xba: {  	s3 =	sand.u32 $0x4000, s31;
	s1 =	sadd.s32 s1, s30  }
0xbb: {  	s0 =	sor.u32 s3, s0;
	s1 =	sshll.u32 s1, $0x11  }
0xbc: {  	s0 =	sor.u32 s1, s0  }
0xbd: {  	s0 =	sadd.s32 $0x8F2B, s0  }
0xbe: {  	[sflag:s0] =	ssyncadd.remote.s32 $0x1  }
0xbf: {  	_ =	sfence.sel $0xFFFF  }
0xc0: {  	[dreg:$0x0] =	wrdreg $0xFFFFFFFF;
	(pc) =	sbr.abs _section_cstart, $3  }
0xc1: {  	[dreg:$0x1] =	wrdreg $0xFFFFFFFF  }
0xc2: {  	_ =	task.clear_ibuf [dreg:s7], $0x2FFFF;
	_ =	strace $0x9FFFFFFF  }
0xc3: {  	(tm) =	ssettm $0x7FFFFFFF  }
tec
execute0_lowered:
.L_overlay_start_1:
0x0: {  	(tag) =	ssettag $0x1  }
0x1: {  	s4 =	rddreg [dreg:$0x0]  }
0x2: {  	s5 =	rddreg [dreg:$0x1]  }
0x3: {  	s2 =	rddreg [dreg:$0x2]  }
0x4: {  	s0 =	rddreg [dreg:$0x3]  }
0x5: {  	s1 =	stileid.u32;
	s6 =	srdreg.scid;
	s3 =	simm.s32 $0x0  }
0x6: {  	s13 =	simm.s32 $0x50;
	s14 =	simm.s32 $0x4E20;
	s15 =	simm.s32 $0x0  }
0x7: {  	s7 =	smul.u32 $0x2710, s1;
	s6 =	sand.u32 $0x1, s6;
	[smem:$0x7FF] =	sst s3  }
0x8: {  	s31 =	sshll.u32 s1, $0x6;
	s8 =	smul.u32 $0x27100, s6;
	_ =	strace $0x80000047  }
0x9: {  	s9 =	sshll.u32 s6, $0x4;
	s6 =	ssub.s32 $0x2, s6;
	s10 =	sshrl.u32 s7, $0x3  }
0xa: {  	s9 =	sor.u32 s1, s9;
	s30 =	sshrl.u32 s6, $0x1;
	s12 =	sadd.s32 s7, s2  }
0xb: {  	s8 =	sadd.s32 s7, s8;
	s9 =	smul.u32 $0x4E2, s9;
	s10 =	sadd.s32 s10, s5  }
0xc: {  	s11 =	ssub.s32 s6, s30;
	s6 =	sor.u32 $0x1C02, s31;
	s8 =	sshrl.u32 s8, $0x3  }
0xd: {  	s8 =	sadd.s32 s8, s5;
	s4 =	sadd.s32 s4, s9;
	s5 =	sadd.s32 $0x600, s10  }
0xe: {  	s9 =	simm.s32 $0x2710;
	s10 =	sshrl.u32 s12, $0x3;
	s12 =	simm.s32 $0x1  }
0xf: {  	v0 =	vimm.f32 $1.000000000e+00;
	s7 =	sadd.s32 $0x5600, s8;
	s8 =	smax.u32 s11, $0x1;
	s11 =	simm.s32 $0x2  }
.LBB2_1:
0x10: {  	[tilespmem:s9], [sflag:$0x1] =	stream.linear.gather [hbm4b:s4+s3], $0x2710, $0x38;
	[tilespmem:$0x5320] =	vst v63  }
0x11: {  	[spmem:s10], [sflag:s6] =	dma.local [hbm:s5], $0x4E2  }
0x12: {  	_ =	swait.ge [sflag:s11], $0x4E2  }
0x13: {  	[sflag:s11] =	ssyncset.done $0x0  }
0x14: {  	s16 =	simm.s32 $0x40;
	s17 =	simm.s32 $0x0;
	[sflag:s11] =	ssyncadd.s32 $0xFFFFFB1E  }
.LBB2_2:
0x15: {  	p0 =	sne.s32 s16, $0x13C0;
	[tilespmem:s17+$0x4E20] =	vst v0;
	s17 =	smov.u32 s16;
	s16 =	sadd.s32 $0x40, s16  }
.Ltmp0:
0x16: {  	(pc) =	sbr.rel @p0 .LBB2_2-.Ltmp0, $2  }
0x17: {  	_ =	sdelay $0x2  }
0x18: {  	s17 =	sshra.s32 s17, $0x2  }
0x19: {  	[tilespmem:s17+$0x4E20] =	vst v0  }
0x1a: {  	_ =	swait.ge [sflag:s12], $0x2710  }
0x1b: {  	[sflag:s12] =	ssyncset.done $0x0  }
0x1c: {  	[sflag:s12] =	ssyncadd.s32 $0xFFFFD8F0  }
0x1d: {  	s16 =	simm.s32 $0x2710;
	[bflag:$0x0] =	sbarrier.arrive $0xFFFF  }
0x1e: {  	[spmem:s2] =	stream.indirect.scatter.add.f32 [tilespmem:s14], [sflag:$0x2], $0x10, s16, s13, $0xb8;
	[tilespmem:$0x5320] =	vst v63  }
0x1f: {  	s16 =	simm.s32 $0x140;
	_ =	swait.ge [sflag:s11], $0x500  }
.LBB2_4:
0x20: {  	s17 =	sshra.s32 s16, $0x2;
	[sflag:s11] =	ssyncset.done $0x0;
	p0 =	sne.s32 s16, $0x9B00  }
.Ltmp1:
0x21: {  	s17 =	sadd.s32 $0x2710, s17;
	[sflag:s11] =	ssyncadd.s32 $0xFFFFFB00;
	(pc) =	sbr.rel @p0 .LBB2_4-.Ltmp1, $3  }
0x22: {  	[spmem:s2] =	stream.indirect.scatter.add.f32 [tilespmem:s14], [sflag:$0x2], $0x10, s17, s13, $0xb8;
	[tilespmem:$0x5320] =	vst v63  }
0x23: {  	s16 =	sadd.s32 $0x140, s16;
	_ =	sdelay $0x1  }
0x24: {  	_ =	swait.ge [sflag:s11], $0x500  }
0x25: {  	[sflag:s11] =	ssyncset.done $0x0;
	s15 =	sadd.s32 $0x1, s15  }
0x26: {  	[sflag:s11] =	ssyncadd.s32 $0xFFFFFB00;
	p0 =	sne.s32 s15, s8  }
.Ltmp2:
0x27: {  	[bflag:$0x0] =	sbarrier.arrive $0xFFFF;
	(pc) =	sbr.rel @p0 .LBB2_1-.Ltmp2, $4  }
0x28: {  	[hbm:s7], [sflag:s6] =	dma.local [spmem:s10], $0x4E2  }
0x29: {  	_ =	swait.ge [sflag:s11], $0x4E2  }
0x2a: {  	[sflag:s11] =	ssyncset.done $0x0  }
0x2b: {  	[sflag:s11] =	ssyncadd.s32 $0xFFFFFB1E  }
0x2c: {  	_ =	sfence.sel $0x180000  }
0x2d: {  	[bflag:$0x0] =	sbarrier.arrive $0xFFFF  }
0x2e: {  	p0 =	sne.s32 s1, $0x0;
	_ =	strace $0x90000047  }
0x2f: {  	s0 =	sadd.s32 @!p0 $0x100000, s0;
	[bflag:$0x2] =	sbarrier.arrive $0xFFFF  }
0x30: {  	[sflag:s0] =	ssyncadd.tile.s32 @!p0 $0x1;
	_ =	shalt  }
.Lfunc_end2:
_tile_overlayer_lowered:
.L_overlay_start_2:
0x31: {  	(tag) =	ssettag $0x2  }
0x32: {  	s0 =	rddreg [dreg:$0x0];
	s2 =	stileid.u32  }
0x33: {  	s1 =	rddreg [dreg:$0x1];
	p0 =	sne.s32 s2, $0x0  }
0x34: {  	s3 =	rddreg [dreg:$0x2];
	[bflag:$0x3] =	sbarrier.arrive $0xFFFF;
	s2 =	simm.s32 @!p0 $0x1C02  }
0x35: {  	[timem:s3], [sflag:s2] =	dma.local @!p0 [hbm:s0], s1  }
0x36: {  	s0 =	simm.s32 @!p0 $0x2  }
0x37: {  	_ =	swait.ge @!p0 [sflag:s0], s1  }
0x38: {  	s1 =	ssub.s32 @!p0 $0x0, s1;
	[sflag:s0] =	ssyncset.done @!p0 $0x0  }
0x39: {  	[sflag:s0] =	ssyncadd.s32 @!p0 s1  }
0x3a: {  	[bflag:$0x3] =	sbarrier.arrive $0xFFFF  }
0x3b: {  	_ =	shalt  }

</sc_bundles>
